<compile_context>
chip_gen: v7x
topology: tpu7x:2x2x1
jax: 0.10.2.dev20260603
libtpu: 0.0.44.dev20260713+nightly
codegen_flags: <defaults>
</compile_context>

<pallas_src>
import functools

import jax
import jax.numpy as jnp
from jax import lax
from jax.experimental import pallas as pl
from jax.experimental.pallas import tpu as pltpu
from jax.experimental.pallas import tpu_sc as plsc

_L = 16
_PAD = 128
_UNROLL = 4


def _make_sc_kernel(B, L):
    nblk = L // _L
    mesh = plsc.VectorSubcoreMesh(core_axis_name="c", subcore_axis_name="s",
                                  num_cores=1)

    @functools.partial(
        pl.kernel,
        mesh=mesh,
        compiler_params=pltpu.CompilerParams(needs_layout_passes=False),
        out_type=(
            jax.ShapeDtypeStruct((B, L), jnp.int32),
            jax.ShapeDtypeStruct((B, L), jnp.int32),
            jax.ShapeDtypeStruct((B, L), jnp.int32),
            jax.ShapeDtypeStruct((B,), jnp.int32),
            jax.ShapeDtypeStruct((B, _L), jnp.int32),
        ),
        scratch_types=(
            pltpu.VMEM((L + 2 * _PAD,), jnp.int32),
            pltpu.VMEM((L,), jnp.int32),
            pltpu.VMEM((L,), jnp.int32),
            pltpu.VMEM((L,), jnp.int32),
            pltpu.VMEM((_L,), jnp.int32),
            pltpu.VMEM((B, _L), jnp.int32),
            pltpu.SemaphoreType.DMA,
        ),
    )
    def tok_kernel(chars_hbm, tid_hbm, st_hbm, en_hbm, nt_hbm, xchg_hbm,
                   padded, tid_out, st_out, en_out, nt_vec, agg, osem):
        row = lax.axis_index("s")
        zero = jnp.zeros((_L,), jnp.int32)

        padded[pl.ds(_PAD - _L, _L)] = zero
        padded[pl.ds(_PAD + L, _L)] = zero
        pltpu.sync_copy(chars_hbm.at[row], padded.at[pl.ds(_PAD, L)])

        def body(g, cr):
            neg1 = jnp.full((_L,), -1, jnp.int32)
            one = jnp.full((_L,), 1, jnp.int32)
            gbase = g * (_L * _UNROLL)
            blocks = []
            for u in range(_UNROLL):
                base = gbase + u * _L
                st_out[pl.ds(base, _L)] = neg1
                en_out[pl.ds(base, _L)] = neg1
                c = padded[pl.ds(base + _PAD, _L)]
                p = padded[pl.ds(base + _PAD - 1, _L)]
                n = padded[pl.ds(base + _PAD + 1, _L)]
                is_tok = c != 0
                start_m = is_tok & (p == 0)
                end_m = is_tok & (n == 0)
                cum = plsc.cumsum(jnp.where(start_m, one, zero))
                pc = plsc.all_reduce_population_count(start_m)
                blocks.append((base, is_tok, start_m, end_m, cum, pc))
            for base, is_tok, start_m, end_m, cum, pc in blocks:
                tid = cr + cum - 1
                tid_out[pl.ds(base, _L)] = jnp.where(is_tok, tid, neg1)
                idx = jnp.maximum(tid, 0)
                pos = lax.iota(jnp.int32, _L) + base
                plsc.store_scatter(st_out, [idx], pos, mask=start_m)
                plsc.store_scatter(en_out, [idx], pos + 1, mask=end_m)
                cr = cr + pc
            return cr

        carry = lax.fori_loop(0, nblk // _UNROLL, body, zero)
        nt_vec[...] = carry
        cp_tid = pltpu.async_copy(tid_out, tid_hbm.at[row], osem)
        cp_st = pltpu.async_copy(st_out, st_hbm.at[row], osem)
        cp_en = pltpu.async_copy(en_out, en_hbm.at[row], osem)
        pltpu.sync_copy(nt_vec, xchg_hbm.at[row])

        plsc.subcore_barrier()

        @pl.when(row == 0)
        def _write_counts():
            pltpu.sync_copy(xchg_hbm, agg)
            iot = lax.iota(jnp.int32, _L)
            nt_vec[...] = plsc.load_gather(agg, [iot, iot])
            pltpu.sync_copy(nt_vec, nt_hbm)

        cp_tid.wait()
        cp_st.wait()
        cp_en.wait()

    return tok_kernel


def kernel(chars):
    B, L = chars.shape
    tid, st, en, nt, _unused_xchg = _make_sc_kernel(B, L)(chars)
    return (tid, st, en, nt)

# --- scband reference (transcript-rebuilt; emitter-appended) ---
"""Pipeline reference for scband-whitespace-tokenization-with-offsets-23244363006117 (READ-ONLY COPY).

The authoritative reference and input builder live on the scoring server;
editing this copy changes nothing except your own understanding.
"""

import jax, jax.numpy as jnp
import numpy as np

# WhitespaceTokenizationWithOffsets: tf_text.WhitespaceTokenizer().tokenize_with_offsets
# JAX has no string dtype, so strings are encoded as int32 character codes where
# code 0 == whitespace and codes 1..4 == non-whitespace characters.
# Outputs mirror the ragged (tokens, starts, ends) triple in dense padded form:
#   token_ids : int32[B, L]  per-character token index (-1 on whitespace) -- encodes the
#               ragged row-splits/values structure of `tokens`
#   starts    : int32[B, L]  byte offset where each token starts, -1 padded
#   ends      : int32[B, L]  exclusive byte offset where each token ends, -1 padded
#   num_tokens: int32[B]     tokens per row (ragged row lengths)

def setup_inputs(seed: int = 0) -> dict:
    key = jax.random.key(seed)
    chars = jax.random.randint(key, (16, 4096), 0, 5, dtype=jnp.int32)
    return {"chars": chars}


def reference(chars):
    B, L = chars.shape
    is_tok = chars != 0  # non-whitespace characters
    # previous char is whitespace (or begin-of-string)
    prev_space = jnp.concatenate([jnp.ones((B, 1), dtype=bool), ~is_tok[:, :-1]], axis=1)
    # next char is whitespace (or end-of-string)
    next_space = jnp.concatenate([~is_tok[:, 1:], jnp.ones((B, 1), dtype=bool)], axis=1)
    start_mask = is_tok & prev_space
    end_mask = is_tok & next_space
    pos = jnp.arange(L, dtype=jnp.int32)
    # compact start/end offsets to the front of each row via sort (padding sentinel = L / L+1)
    starts_raw = jnp.sort(jnp.where(start_mask, pos[None, :], L), axis=1)
    ends_raw = jnp.sort(jnp.where(end_mask, pos[None, :] + 1, L + 1), axis=1)
    num_tokens = jnp.sum(start_mask.astype(jnp.int32), axis=1)
    valid = pos[None, :] < num_tokens[:, None]
    starts = jnp.where(valid, starts_raw, -1).astype(jnp.int32)
    ends = jnp.where(valid, ends_raw, -1).astype(jnp.int32)
    # per-character token segment id (ragged values structure of `tokens`)
    token_ids = jnp.where(is_tok, jnp.cumsum(start_mask.astype(jnp.int32), axis=1) - 1, -1).astype(jnp.int32)
    return (token_ids, starts, ends, num_tokens)

if __name__ == "__main__":
    import jax
    _d = setup_inputs()
    print(jax.jit(kernel)(*tuple(_d.values())))

</pallas_src>

<mosaic_0001>
#map = affine_map<(d0, d1) -> (0, 0)>
#map1 = affine_map<(d0, d1) -> (0)>
module attributes {stable_mosaic.version = 14 : i64} {
  func.func @tok_kernel(%arg0: i32, %arg1: i32, %arg2: memref<16x4096xi32, #tpu.memory_space<hbm>>, %arg3: memref<16x4096xi32, #tpu.memory_space<hbm>>, %arg4: memref<16x4096xi32, #tpu.memory_space<hbm>>, %arg5: memref<16x4096xi32, #tpu.memory_space<hbm>>, %arg6: memref<16xi32, #tpu.memory_space<hbm>>, %arg7: memref<16x16xi32, #tpu.memory_space<hbm>>, %arg8: memref<4352xi32, #tpu.memory_space<vmem>>, %arg9: memref<4096xi32, #tpu.memory_space<vmem>>, %arg10: memref<4096xi32, #tpu.memory_space<vmem>>, %arg11: memref<4096xi32, #tpu.memory_space<vmem>>, %arg12: memref<16xi32, #tpu.memory_space<vmem>>, %arg13: memref<16x16xi32, #tpu.memory_space<vmem>>, %arg14: memref<!tpu.dma_semaphore, #tpu.memory_space<semaphore_mem>>) attributes {dimension_semantics = [#tpu.dimension_semantics<core_parallel>, #tpu.dimension_semantics<subcore_parallel>], iteration_bounds = array<i64: 1, 16>, scalar_prefetch = 0 : i64, scratch_operands = 7 : i64, tpu.core_type = #tpu.core_type<sc_vector_subcore>, window_params = [{transform_indices = #map}, {transform_indices = #map}, {transform_indices = #map}, {transform_indices = #map}, {transform_indices = #map1}, {transform_indices = #map}]} {
    %broadcast_in_dim3A = arith.constant 0 : i32
    %broadcast_in_dim3A_0 = vector.broadcast %broadcast_in_dim3A : i32 to vector<16xi32>
    %swap3A = arith.constant 112 : index
    %swap3A_1 = tpu.vector_load %arg8[%swap3A] {strides = array<i32>} : memref<4352xi32, #tpu.memory_space<vmem>>, vector<16xi32>,
    tpu.vector_store %arg8[%swap3A], %broadcast_in_dim3A_0 {strides = array<i32>} : memref<4352xi32, #tpu.memory_space<vmem>>, vector<16xi32>,
    %swap3A_2 = arith.constant 4224 : index
    %swap3A_3 = tpu.vector_load %arg8[%swap3A_2] {strides = array<i32>} : memref<4352xi32, #tpu.memory_space<vmem>>, vector<16xi32>,
    tpu.vector_store %arg8[%swap3A_2], %broadcast_in_dim3A_0 {strides = array<i32>} : memref<4352xi32, #tpu.memory_space<vmem>>, vector<16xi32>,
    "tpu.region"() ({
      %run_scoped3A = tpu.sem_alloc : memref<!tpu.dma_semaphore, #tpu.memory_space<semaphore_mem>>
      %dma_start3A_47 = arith.constant 128 : i32
      %dma_start3A_48 = tpu.memref_slice %arg8[%dma_start3A_47] : memref<4352xi32, #tpu.memory_space<vmem>> -> memref<4096xi32, #tpu.memory_space<vmem>>
      %dma_start3A_49 = arith.constant 0 : i32
      %dma_start3A_50 = tpu.memref_slice %arg2[%arg1, %dma_start3A_49] : memref<16x4096xi32, #tpu.memory_space<hbm>> -> memref<1x4096xi32, #tpu.memory_space<hbm>>
      %dma_start3A_51 = tpu.memref_squeeze %dma_start3A_50 : memref<1x4096xi32, #tpu.memory_space<hbm>> -> memref<4096xi32, #tpu.memory_space<hbm>>
      %dma_start3A_52 = arith.constant 128 : i32
      %dma_start3A_53 = tpu.memref_slice %arg8[%dma_start3A_52] : memref<4352xi32, #tpu.memory_space<vmem>> -> memref<4096xi32, #tpu.memory_space<vmem>>
      %dma_start3A_54 = arith.constant 0 : i32
      %dma_start3A_55 = tpu.memref_slice %arg2[%arg1, %dma_start3A_54] : memref<16x4096xi32, #tpu.memory_space<hbm>> -> memref<1x4096xi32, #tpu.memory_space<hbm>>
      %dma_start3A_56 = tpu.memref_squeeze %dma_start3A_55 : memref<1x4096xi32, #tpu.memory_space<hbm>> -> memref<4096xi32, #tpu.memory_space<hbm>>
      tpu.enqueue_dma source(%dma_start3A_56 : memref<4096xi32, #tpu.memory_space<hbm>>) target(%dma_start3A_53 : memref<4096xi32, #tpu.memory_space<vmem>>) target_semaphore(%run_scoped3A : memref<!tpu.dma_semaphore, #tpu.memory_space<semaphore_mem>>)
      %dma_wait3A_57 = arith.constant 128 : i32
      %dma_wait3A_58 = tpu.memref_slice %arg8[%dma_wait3A_57] : memref<4352xi32, #tpu.memory_space<vmem>> -> memref<4096xi32, #tpu.memory_space<vmem>>
      %dma_wait3A_59 = arith.constant 0 : i32
      %dma_wait3A_60 = tpu.memref_slice %arg2[%arg1, %dma_wait3A_59] : memref<16x4096xi32, #tpu.memory_space<hbm>> -> memref<1x4096xi32, #tpu.memory_space<hbm>>
      %dma_wait3A_61 = tpu.memref_squeeze %dma_wait3A_60 : memref<1x4096xi32, #tpu.memory_space<hbm>> -> memref<4096xi32, #tpu.memory_space<hbm>>
      %dma_wait3A_62 = arith.constant 128 : i32
      %dma_wait3A_63 = tpu.memref_slice %arg8[%dma_wait3A_62] : memref<4352xi32, #tpu.memory_space<vmem>> -> memref<4096xi32, #tpu.memory_space<vmem>>
      %dma_wait3A_64 = arith.constant 0 : i32
      %dma_wait3A_65 = tpu.memref_slice %arg2[%arg1, %dma_wait3A_64] : memref<16x4096xi32, #tpu.memory_space<hbm>> -> memref<1x4096xi32, #tpu.memory_space<hbm>>
      %dma_wait3A_66 = tpu.memref_squeeze %dma_wait3A_65 : memref<1x4096xi32, #tpu.memory_space<hbm>> -> memref<4096xi32, #tpu.memory_space<hbm>>
      tpu.wait_dma2 semaphore(%run_scoped3A : memref<!tpu.dma_semaphore, #tpu.memory_space<semaphore_mem>>) src(%dma_wait3A_66 : memref<4096xi32, #tpu.memory_space<hbm>>) dst(%dma_wait3A_63 : memref<4096xi32, #tpu.memory_space<vmem>>)
      tpu.yield
    }) : () -> ()
    %scan3A = arith.constant 0 : i32
    %scan3A_4 = arith.constant 64 : i32
    %scan3A_5 = arith.addi %scan3A, %scan3A_4 : i32
    %scan3A_6 = arith.constant 1 : i32
    %scan3A_7 = scf.for %scan3A_47 = %scan3A to %scan3A_5 step %scan3A_6 iter_args(%scan3A_48 = %broadcast_in_dim3A_0) -> (vector<16xi32>)  : i32 {
      %broadcast_in_dim3A_49 = arith.constant -1 : i32
      %broadcast_in_dim3A_50 = vector.broadcast %broadcast_in_dim3A_49 : i32 to vector<16xi32>
      %broadcast_in_dim3A_51 = arith.constant 1 : i32
      %broadcast_in_dim3A_52 = vector.broadcast %broadcast_in_dim3A_51 : i32 to vector<16xi32>
      %mul3A = arith.constant 64 : i32
      %mul3A_53 = arith.muli %scan3A_47, %mul3A : i32
      %add3A = arith.constant 0 : i32
      %add3A_54 = arith.addi %mul3A_53, %add3A : i32
      %swap3A_55 = arith.index_cast %add3A_54 : i32 to index
      %swap3A_56 = tpu.vector_load %arg10[%swap3A_55] {strides = array<i32>} : memref<4096xi32, #tpu.memory_space<vmem>>, vector<16xi32>,
      tpu.vector_store %arg10[%swap3A_55], %broadcast_in_dim3A_50 {strides = array<i32>} : memref<4096xi32, #tpu.memory_space<vmem>>, vector<16xi32>,
      %swap3A_57 = arith.index_cast %add3A_54 : i32 to index
      %swap3A_58 = tpu.vector_load %arg11[%swap3A_57] {strides = array<i32>} : memref<4096xi32, #tpu.memory_space<vmem>>, vector<16xi32>,
      tpu.vector_store %arg11[%swap3A_57], %broadcast_in_dim3A_50 {strides = array<i32>} : memref<4096xi32, #tpu.memory_space<vmem>>, vector<16xi32>,
      %add3A_59 = arith.constant 128 : i32
      %add3A_60 = arith.addi %add3A_54, %add3A_59 : i32
      %get3A = arith.index_cast %add3A_60 : i32 to index
      %get3A_61 = tpu.vector_load %arg8[%get3A] {strides = array<i32>} : memref<4352xi32, #tpu.memory_space<vmem>>, vector<16xi32>,
      %add3A_62 = arith.constant 128 : i32
      %add3A_63 = arith.addi %add3A_54, %add3A_62 : i32
      %sub3A = arith.constant 1 : i32
      %sub3A_64 = arith.subi %add3A_63, %sub3A : i32
      %get3A_65 = arith.index_cast %sub3A_64 : i32 to index
      %get3A_66 = tpu.vector_load %arg8[%get3A_65] {strides = array<i32>} : memref<4352xi32, #tpu.memory_space<vmem>>, vector<16xi32>,
      %add3A_67 = arith.constant 128 : i32
      %add3A_68 = arith.addi %add3A_54, %add3A_67 : i32
      %add3A_69 = arith.constant 1 : i32
      %add3A_70 = arith.addi %add3A_68, %add3A_69 : i32
      %get3A_71 = arith.index_cast %add3A_70 : i32 to index
      %get3A_72 = tpu.vector_load %arg8[%get3A_71] {strides = array<i32>} : memref<4352xi32, #tpu.memory_space<vmem>>, vector<16xi32>,
      %ne3A = arith.constant 0 : i32
      %ne3A_73 = vector.broadcast %ne3A : i32 to vector<16xi32>
      %ne3A_74 = arith.cmpi ne, %get3A_61, %ne3A_73 : vector<16xi32>
      %eq3A_75 = arith.constant 0 : i32
      %eq3A_76 = vector.broadcast %eq3A_75 : i32 to vector<16xi32>
      %eq3A_77 = arith.cmpi eq, %get3A_66, %eq3A_76 : vector<16xi32>
      %and3A = arith.andi %ne3A_74, %eq3A_77 : vector<16xi1>
      %eq3A_78 = arith.constant 0 : i32
      %eq3A_79 = vector.broadcast %eq3A_78 : i32 to vector<16xi32>
      %eq3A_80 = arith.cmpi eq, %get3A_72, %eq3A_79 : vector<16xi32>
      %and3A_81 = arith.andi %ne3A_74, %eq3A_80 : vector<16xi1>
      %select_n3A = arith.select %and3A, %broadcast_in_dim3A_52, %broadcast_in_dim3A_0 : vector<16xi1>, vector<16xi32>
      %broadcast_in_dim3A_82 = arith.constant true
      %broadcast_in_dim3A_83 = vector.broadcast %broadcast_in_dim3A_82 : i1 to vector<16xi1>
      %masked_cumsum3A = tpu.scan <sum>, %select_n3A masked %broadcast_in_dim3A_83 : vector<16xi32>, vector<16xi1> -> vector<16xi32>
      %all_reduce_population_count3A = tpu.all_reduce %and3A {dim = 0 : i64, kind = #tpu.reduction_kind<sum>} : vector<16xi1> -> vector<16xi32>
      %add3A_84 = arith.constant 16 : i32
      %add3A_85 = arith.addi %mul3A_53, %add3A_84 : i32
      %swap3A_86 = arith.index_cast %add3A_85 : i32 to index
      %swap3A_87 = tpu.vector_load %arg10[%swap3A_86] {strides = array<i32>} : memref<4096xi32, #tpu.memory_space<vmem>>, vector<16xi32>,
      tpu.vector_store %arg10[%swap3A_86], %broadcast_in_dim3A_50 {strides = array<i32>} : memref<4096xi32, #tpu.memory_space<vmem>>, vector<16xi32>,
      %swap3A_88 = arith.index_cast %add3A_85 : i32 to index
      %swap3A_89 = tpu.vector_load %arg11[%swap3A_88] {strides = array<i32>} : memref<4096xi32, #tpu.memory_space<vmem>>, vector<16xi32>,
      tpu.vector_store %arg11[%swap3A_88], %broadcast_in_dim3A_50 {strides = array<i32>} : memref<4096xi32, #tpu.memory_space<vmem>>, vector<16xi32>,
      %add3A_90 = arith.constant 128 : i32
      %add3A_91 = arith.addi %add3A_85, %add3A_90 : i32
      %get3A_92 = arith.index_cast %add3A_91 : i32 to index
      %get3A_93 = tpu.vector_load %arg8[%get3A_92] {strides = array<i32>} : memref<4352xi32, #tpu.memory_space<vmem>>, vector<16xi32>,
      %add3A_94 = arith.constant 128 : i32
      %add3A_95 = arith.addi %add3A_85, %add3A_94 : i32
      %sub3A_96 = arith.constant 1 : i32
      %sub3A_97 = arith.subi %add3A_95, %sub3A_96 : i32
      %get3A_98 = arith.index_cast %sub3A_97 : i32 to index
      %get3A_99 = tpu.vector_load %arg8[%get3A_98] {strides = array<i32>} : memref<4352xi32, #tpu.memory_space<vmem>>, vector<16xi32>,
      %add3A_100 = arith.constant 128 : i32
      %add3A_101 = arith.addi %add3A_85, %add3A_100 : i32
      %add3A_102 = arith.constant 1 : i32
      %add3A_103 = arith.addi %add3A_101, %add3A_102 : i32
      %get3A_104 = arith.index_cast %add3A_103 : i32 to index
      %get3A_105 = tpu.vector_load %arg8[%get3A_104] {strides = array<i32>} : memref<4352xi32, #tpu.memory_space<vmem>>, vector<16xi32>,
      %ne3A_106 = arith.constant 0 : i32
      %ne3A_107 = vector.broadcast %ne3A_106 : i32 to vector<16xi32>
      %ne3A_108 = arith.cmpi ne, %get3A_93, %ne3A_107 : vector<16xi32>
      %eq3A_109 = arith.constant 0 : i32
      %eq3A_110 = vector.broadcast %eq3A_109 : i32 to vector<16xi32>
      %eq3A_111 = arith.cmpi eq, %get3A_99, %eq3A_110 : vector<16xi32>
      %and3A_112 = arith.andi %ne3A_108, %eq3A_111 : vector<16xi1>
      %eq3A_113 = arith.constant 0 : i32
      %eq3A_114 = vector.broadcast %eq3A_113 : i32 to vector<16xi32>
      %eq3A_115 = arith.cmpi eq, %get3A_105, %eq3A_114 : vector<16xi32>
      %and3A_116 = arith.andi %ne3A_108, %eq3A_115 : vector<16xi1>
      %select_n3A_117 = arith.select %and3A_112, %broadcast_in_dim3A_52, %broadcast_in_dim3A_0 : vector<16xi1>, vector<16xi32>
      %broadcast_in_dim3A_118 = arith.constant true
      %broadcast_in_dim3A_119 = vector.broadcast %broadcast_in_dim3A_118 : i1 to vector<16xi1>
      %masked_cumsum3A_120 = tpu.scan <sum>, %select_n3A_117 masked %broadcast_in_dim3A_119 : vector<16xi32>, vector<16xi1> -> vector<16xi32>
      %all_reduce_population_count3A_121 = tpu.all_reduce %and3A_112 {dim = 0 : i64, kind = #tpu.reduction_kind<sum>} : vector<16xi1> -> vector<16xi32>
      %add3A_122 = arith.constant 32 : i32
      %add3A_123 = arith.addi %mul3A_53, %add3A_122 : i32
      %swap3A_124 = arith.index_cast %add3A_123 : i32 to index
      %swap3A_125 = tpu.vector_load %arg10[%swap3A_124] {strides = array<i32>} : memref<4096xi32, #tpu.memory_space<vmem>>, vector<16xi32>,
      tpu.vector_store %arg10[%swap3A_124], %broadcast_in_dim3A_50 {strides = array<i32>} : memref<4096xi32, #tpu.memory_space<vmem>>, vector<16xi32>,
      %swap3A_126 = arith.index_cast %add3A_123 : i32 to index
      %swap3A_127 = tpu.vector_load %arg11[%swap3A_126] {strides = array<i32>} : memref<4096xi32, #tpu.memory_space<vmem>>, vector<16xi32>,
      tpu.vector_store %arg11[%swap3A_126], %broadcast_in_dim3A_50 {strides = array<i32>} : memref<4096xi32, #tpu.memory_space<vmem>>, vector<16xi32>,
      %add3A_128 = arith.constant 128 : i32
      %add3A_129 = arith.addi %add3A_123, %add3A_128 : i32
      %get3A_130 = arith.index_cast %add3A_129 : i32 to index
      %get3A_131 = tpu.vector_load %arg8[%get3A_130] {strides = array<i32>} : memref<4352xi32, #tpu.memory_space<vmem>>, vector<16xi32>,
      %add3A_132 = arith.constant 128 : i32
      %add3A_133 = arith.addi %add3A_123, %add3A_132 : i32
      %sub3A_134 = arith.constant 1 : i32
      %sub3A_135 = arith.subi %add3A_133, %sub3A_134 : i32
      %get3A_136 = arith.index_cast %sub3A_135 : i32 to index
      %get3A_137 = tpu.vector_load %arg8[%get3A_136] {strides = array<i32>} : memref<4352xi32, #tpu.memory_space<vmem>>, vector<16xi32>,
      %add3A_138 = arith.constant 128 : i32
      %add3A_139 = arith.addi %add3A_123, %add3A_138 : i32
      %add3A_140 = arith.constant 1 : i32
      %add3A_141 = arith.addi %add3A_139, %add3A_140 : i32
      %get3A_142 = arith.index_cast %add3A_141 : i32 to index
      %get3A_143 = tpu.vector_load %arg8[%get3A_142] {strides = array<i32>} : memref<4352xi32, #tpu.memory_space<vmem>>, vector<16xi32>,
      %ne3A_144 = arith.constant 0 : i32
      %ne3A_145 = vector.broadcast %ne3A_144 : i32 to vector<16xi32>
      %ne3A_146 = arith.cmpi ne, %get3A_131, %ne3A_145 : vector<16xi32>
      %eq3A_147 = arith.constant 0 : i32
      %eq3A_148 = vector.broadcast %eq3A_147 : i32 to vector<16xi32>
      %eq3A_149 = arith.cmpi eq, %get3A_137, %eq3A_148 : vector<16xi32>
      %and3A_150 = arith.andi %ne3A_146, %eq3A_149 : vector<16xi1>
      %eq3A_151 = arith.constant 0 : i32
      %eq3A_152 = vector.broadcast %eq3A_151 : i32 to vector<16xi32>
      %eq3A_153 = arith.cmpi eq, %get3A_143, %eq3A_152 : vector<16xi32>
      %and3A_154 = arith.andi %ne3A_146, %eq3A_153 : vector<16xi1>
      %select_n3A_155 = arith.select %and3A_150, %broadcast_in_dim3A_52, %broadcast_in_dim3A_0 : vector<16xi1>, vector<16xi32>
      %broadcast_in_dim3A_156 = arith.constant true
      %broadcast_in_dim3A_157 = vector.broadcast %broadcast_in_dim3A_156 : i1 to vector<16xi1>
      %masked_cumsum3A_158 = tpu.scan <sum>, %select_n3A_155 masked %broadcast_in_dim3A_157 : vector<16xi32>, vector<16xi1> -> vector<16xi32>
      %all_reduce_population_count3A_159 = tpu.all_reduce %and3A_150 {dim = 0 : i64, kind = #tpu.reduction_kind<sum>} : vector<16xi1> -> vector<16xi32>
      %add3A_160 = arith.constant 48 : i32
      %add3A_161 = arith.addi %mul3A_53, %add3A_160 : i32
      %swap3A_162 = arith.index_cast %add3A_161 : i32 to index
      %swap3A_163 = tpu.vector_load %arg10[%swap3A_162] {strides = array<i32>} : memref<4096xi32, #tpu.memory_space<vmem>>, vector<16xi32>,
      tpu.vector_store %arg10[%swap3A_162], %broadcast_in_dim3A_50 {strides = array<i32>} : memref<4096xi32, #tpu.memory_space<vmem>>, vector<16xi32>,
      %swap3A_164 = arith.index_cast %add3A_161 : i32 to index
      %swap3A_165 = tpu.vector_load %arg11[%swap3A_164] {strides = array<i32>} : memref<4096xi32, #tpu.memory_space<vmem>>, vector<16xi32>,
      tpu.vector_store %arg11[%swap3A_164], %broadcast_in_dim3A_50 {strides = array<i32>} : memref<4096xi32, #tpu.memory_space<vmem>>, vector<16xi32>,
      %add3A_166 = arith.constant 128 : i32
      %add3A_167 = arith.addi %add3A_161, %add3A_166 : i32
      %get3A_168 = arith.index_cast %add3A_167 : i32 to index
      %get3A_169 = tpu.vector_load %arg8[%get3A_168] {strides = array<i32>} : memref<4352xi32, #tpu.memory_space<vmem>>, vector<16xi32>,
      %add3A_170 = arith.constant 128 : i32
      %add3A_171 = arith.addi %add3A_161, %add3A_170 : i32
      %sub3A_172 = arith.constant 1 : i32
      %sub3A_173 = arith.subi %add3A_171, %sub3A_172 : i32
      %get3A_174 = arith.index_cast %sub3A_173 : i32 to index
      %get3A_175 = tpu.vector_load %arg8[%get3A_174] {strides = array<i32>} : memref<4352xi32, #tpu.memory_space<vmem>>, vector<16xi32>,
      %add3A_176 = arith.constant 128 : i32
      %add3A_177 = arith.addi %add3A_161, %add3A_176 : i32
      %add3A_178 = arith.constant 1 : i32
      %add3A_179 = arith.addi %add3A_177, %add3A_178 : i32
      %get3A_180 = arith.index_cast %add3A_179 : i32 to index
      %get3A_181 = tpu.vector_load %arg8[%get3A_180] {strides = array<i32>} : memref<4352xi32, #tpu.memory_space<vmem>>, vector<16xi32>,
      %ne3A_182 = arith.constant 0 : i32
      %ne3A_183 = vector.broadcast %ne3A_182 : i32 to vector<16xi32>
      %ne3A_184 = arith.cmpi ne, %get3A_169, %ne3A_183 : vector<16xi32>
      %eq3A_185 = arith.constant 0 : i32
      %eq3A_186 = vector.broadcast %eq3A_185 : i32 to vector<16xi32>
      %eq3A_187 = arith.cmpi eq, %get3A_175, %eq3A_186 : vector<16xi32>
      %and3A_188 = arith.andi %ne3A_184, %eq3A_187 : vector<16xi1>
      %eq3A_189 = arith.constant 0 : i32
      %eq3A_190 = vector.broadcast %eq3A_189 : i32 to vector<16xi32>
      %eq3A_191 = arith.cmpi eq, %get3A_181, %eq3A_190 : vector<16xi32>
      %and3A_192 = arith.andi %ne3A_184, %eq3A_191 : vector<16xi1>
      %select_n3A_193 = arith.select %and3A_188, %broadcast_in_dim3A_52, %broadcast_in_dim3A_0 : vector<16xi1>, vector<16xi32>
      %broadcast_in_dim3A_194 = arith.constant true
      %broadcast_in_dim3A_195 = vector.broadcast %broadcast_in_dim3A_194 : i1 to vector<16xi1>
      %masked_cumsum3A_196 = tpu.scan <sum>, %select_n3A_193 masked %broadcast_in_dim3A_195 : vector<16xi32>, vector<16xi1> -> vector<16xi32>
      %all_reduce_population_count3A_197 = tpu.all_reduce %and3A_188 {dim = 0 : i64, kind = #tpu.reduction_kind<sum>} : vector<16xi1> -> vector<16xi32>
      %add3A_198 = arith.addi %scan3A_48, %masked_cumsum3A : vector<16xi32>
      %sub3A_199 = arith.constant 1 : i32
      %sub3A_200 = vector.broadcast %sub3A_199 : i32 to vector<16xi32>
      %sub3A_201 = arith.subi %add3A_198, %sub3A_200 : vector<16xi32>
      %select_n3A_202 = arith.select %ne3A_74, %sub3A_201, %broadcast_in_dim3A_50 : vector<16xi1>, vector<16xi32>
      %swap3A_203 = arith.index_cast %add3A_54 : i32 to index
      %swap3A_204 = tpu.vector_load %arg9[%swap3A_203] {strides = array<i32>} : memref<4096xi32, #tpu.memory_space<vmem>>, vector<16xi32>,
      tpu.vector_store %arg9[%swap3A_203], %select_n3A_202 {strides = array<i32>} : memref<4096xi32, #tpu.memory_space<vmem>>, vector<16xi32>,
      %max3A = arith.constant 0 : i32
      %max3A_205 = vector.broadcast %max3A : i32 to vector<16xi32>
      %max3A_206 = arith.maxsi %sub3A_201, %max3A_205 : vector<16xi32>
      %iota3A = tpu.iota {dimensions = array<i32: 0>} : vector<16xi32>
      %add3A_207 = vector.broadcast %add3A_54 : i32 to vector<16xi32>
      %add3A_208 = arith.addi %iota3A, %add3A_207 : vector<16xi32>
      tpu.vector_store_idx %arg10[%max3A_206], %add3A_208 masked %and3A : memref<4096xi32, #tpu.memory_space<vmem>>[vector<16xi32>], vector<16xi32>, vector<16xi1>
      %add3A_209 = arith.constant 1 : i32
      %add3A_210 = vector.broadcast %add3A_209 : i32 to vector<16xi32>
      %add3A_211 = arith.addi %add3A_208, %add3A_210 : vector<16xi32>
      tpu.vector_store_idx %arg11[%max3A_206], %add3A_211 masked %and3A_81 : memref<4096xi32, #tpu.memory_space<vmem>>[vector<16xi32>], vector<16xi32>, vector<16xi1>
      %add3A_212 = arith.addi %scan3A_48, %all_reduce_population_count3A : vector<16xi32>
      %add3A_213 = arith.addi %add3A_212, %masked_cumsum3A_120 : vector<16xi32>
      %sub3A_214 = arith.constant 1 : i32
      %sub3A_215 = vector.broadcast %sub3A_214 : i32 to vector<16xi32>
      %sub3A_216 = arith.subi %add3A_213, %sub3A_215 : vector<16xi32>
      %select_n3A_217 = arith.select %ne3A_108, %sub3A_216, %broadcast_in_dim3A_50 : vector<16xi1>, vector<16xi32>
      %swap3A_218 = arith.index_cast %add3A_85 : i32 to index
      %swap3A_219 = tpu.vector_load %arg9[%swap3A_218] {strides = array<i32>} : memref<4096xi32, #tpu.memory_space<vmem>>, vector<16xi32>,
      tpu.vector_store %arg9[%swap3A_218], %select_n3A_217 {strides = array<i32>} : memref<4096xi32, #tpu.memory_space<vmem>>, vector<16xi32>,
      %max3A_220 = arith.constant 0 : i32
      %max3A_221 = vector.broadcast %max3A_220 : i32 to vector<16xi32>
      %max3A_222 = arith.maxsi %sub3A_216, %max3A_221 : vector<16xi32>
      %iota3A_223 = tpu.iota {dimensions = array<i32: 0>} : vector<16xi32>
      %add3A_224 = vector.broadcast %add3A_85 : i32 to vector<16xi32>
      %add3A_225 = arith.addi %iota3A_223, %add3A_224 : vector<16xi32>
      tpu.vector_store_idx %arg10[%max3A_222], %add3A_225 masked %and3A_112 : memref<4096xi32, #tpu.memory_space<vmem>>[vector<16xi32>], vector<16xi32>, vector<16xi1>
      %add3A_226 = arith.constant 1 : i32
      %add3A_227 = vector.broadcast %add3A_226 : i32 to vector<16xi32>
      %add3A_228 = arith.addi %add3A_225, %add3A_227 : vector<16xi32>
      tpu.vector_store_idx %arg11[%max3A_222], %add3A_228 masked %and3A_116 : memref<4096xi32, #tpu.memory_space<vmem>>[vector<16xi32>], vector<16xi32>, vector<16xi1>
      %add3A_229 = arith.addi %add3A_212, %all_reduce_population_count3A_121 : vector<16xi32>
      %add3A_230 = arith.addi %add3A_229, %masked_cumsum3A_158 : vector<16xi32>
      %sub3A_231 = arith.constant 1 : i32
      %sub3A_232 = vector.broadcast %sub3A_231 : i32 to vector<16xi32>
      %sub3A_233 = arith.subi %add3A_230, %sub3A_232 : vector<16xi32>
      %select_n3A_234 = arith.select %ne3A_146, %sub3A_233, %broadcast_in_dim3A_50 : vector<16xi1>, vector<16xi32>
      %swap3A_235 = arith.index_cast %add3A_123 : i32 to index
      %swap3A_236 = tpu.vector_load %arg9[%swap3A_235] {strides = array<i32>} : memref<4096xi32, #tpu.memory_space<vmem>>, vector<16xi32>,
      tpu.vector_store %arg9[%swap3A_235], %select_n3A_234 {strides = array<i32>} : memref<4096xi32, #tpu.memory_space<vmem>>, vector<16xi32>,
      %max3A_237 = arith.constant 0 : i32
      %max3A_238 = vector.broadcast %max3A_237 : i32 to vector<16xi32>
      %max3A_239 = arith.maxsi %sub3A_233, %max3A_238 : vector<16xi32>
      %iota3A_240 = tpu.iota {dimensions = array<i32: 0>} : vector<16xi32>
      %add3A_241 = vector.broadcast %add3A_123 : i32 to vector<16xi32>
      %add3A_242 = arith.addi %iota3A_240, %add3A_241 : vector<16xi32>
      tpu.vector_store_idx %arg10[%max3A_239], %add3A_242 masked %and3A_150 : memref<4096xi32, #tpu.memory_space<vmem>>[vector<16xi32>], vector<16xi32>, vector<16xi1>
      %add3A_243 = arith.constant 1 : i32
      %add3A_244 = vector.broadcast %add3A_243 : i32 to vector<16xi32>
      %add3A_245 = arith.addi %add3A_242, %add3A_244 : vector<16xi32>
      tpu.vector_store_idx %arg11[%max3A_239], %add3A_245 masked %and3A_154 : memref<4096xi32, #tpu.memory_space<vmem>>[vector<16xi32>], vector<16xi32>, vector<16xi1>
      %add3A_246 = arith.addi %add3A_229, %all_reduce_population_count3A_159 : vector<16xi32>
      %add3A_247 = arith.addi %add3A_246, %masked_cumsum3A_196 : vector<16xi32>
      %sub3A_248 = arith.constant 1 : i32
      %sub3A_249 = vector.broadcast %sub3A_248 : i32 to vector<16xi32>
      %sub3A_250 = arith.subi %add3A_247, %sub3A_249 : vector<16xi32>
      %select_n3A_251 = arith.select %ne3A_184, %sub3A_250, %broadcast_in_dim3A_50 : vector<16xi1>, vector<16xi32>
      %swap3A_252 = arith.index_cast %add3A_161 : i32 to index
      %swap3A_253 = tpu.vector_load %arg9[%swap3A_252] {strides = array<i32>} : memref<4096xi32, #tpu.memory_space<vmem>>, vector<16xi32>,
      tpu.vector_store %arg9[%swap3A_252], %select_n3A_251 {strides = array<i32>} : memref<4096xi32, #tpu.memory_space<vmem>>, vector<16xi32>,
      %max3A_254 = arith.constant 0 : i32
      %max3A_255 = vector.broadcast %max3A_254 : i32 to vector<16xi32>
      %max3A_256 = arith.maxsi %sub3A_250, %max3A_255 : vector<16xi32>
      %iota3A_257 = tpu.iota {dimensions = array<i32: 0>} : vector<16xi32>
      %add3A_258 = vector.broadcast %add3A_161 : i32 to vector<16xi32>
      %add3A_259 = arith.addi %iota3A_257, %add3A_258 : vector<16xi32>
      tpu.vector_store_idx %arg10[%max3A_256], %add3A_259 masked %and3A_188 : memref<4096xi32, #tpu.memory_space<vmem>>[vector<16xi32>], vector<16xi32>, vector<16xi1>
      %add3A_260 = arith.constant 1 : i32
      %add3A_261 = vector.broadcast %add3A_260 : i32 to vector<16xi32>
      %add3A_262 = arith.addi %add3A_259, %add3A_261 : vector<16xi32>
      tpu.vector_store_idx %arg11[%max3A_256], %add3A_262 masked %and3A_192 : memref<4096xi32, #tpu.memory_space<vmem>>[vector<16xi32>], vector<16xi32>, vector<16xi1>
      %add3A_263 = arith.addi %add3A_246, %all_reduce_population_count3A_197 : vector<16xi32>
      scf.yield %add3A_263 : vector<16xi32>
    }
    %scan3A_8 = arith.constant 64 : i32
    %swap3A_9 = arith.constant 0 : index
    %swap3A_10 = tpu.vector_load %arg12[%swap3A_9] {strides = array<i32>} : memref<16xi32, #tpu.memory_space<vmem>>, vector<16xi32>,
    tpu.vector_store %arg12[%swap3A_9], %scan3A_7 {strides = array<i32>} : memref<16xi32, #tpu.memory_space<vmem>>, vector<16xi32>,
    %dma_start3A = arith.constant 0 : i32
    %dma_start3A_11 = tpu.memref_slice %arg3[%arg1, %dma_start3A] : memref<16x4096xi32, #tpu.memory_space<hbm>> -> memref<1x4096xi32, #tpu.memory_space<hbm>>
    %dma_start3A_12 = tpu.memref_squeeze %dma_start3A_11 : memref<1x4096xi32, #tpu.memory_space<hbm>> -> memref<4096xi32, #tpu.memory_space<hbm>>
    %dma_start3A_13 = arith.constant 0 : i32
    %dma_start3A_14 = tpu.memref_slice %arg3[%arg1, %dma_start3A_13] : memref<16x4096xi32, #tpu.memory_space<hbm>> -> memref<1x4096xi32, #tpu.memory_space<hbm>>
    %dma_start3A_15 = tpu.memref_squeeze %dma_start3A_14 : memref<1x4096xi32, #tpu.memory_space<hbm>> -> memref<4096xi32, #tpu.memory_space<hbm>>
    tpu.enqueue_dma source(%arg9 : memref<4096xi32, #tpu.memory_space<vmem>>) target(%dma_start3A_15 : memref<4096xi32, #tpu.memory_space<hbm>>) target_semaphore(%arg14 : memref<!tpu.dma_semaphore, #tpu.memory_space<semaphore_mem>>)
    %dma_start3A_16 = arith.constant 0 : i32
    %dma_start3A_17 = tpu.memref_slice %arg4[%arg1, %dma_start3A_16] : memref<16x4096xi32, #tpu.memory_space<hbm>> -> memref<1x4096xi32, #tpu.memory_space<hbm>>
    %dma_start3A_18 = tpu.memref_squeeze %dma_start3A_17 : memref<1x4096xi32, #tpu.memory_space<hbm>> -> memref<4096xi32, #tpu.memory_space<hbm>>
    %dma_start3A_19 = arith.constant 0 : i32
    %dma_start3A_20 = tpu.memref_slice %arg4[%arg1, %dma_start3A_19] : memref<16x4096xi32, #tpu.memory_space<hbm>> -> memref<1x4096xi32, #tpu.memory_space<hbm>>
    %dma_start3A_21 = tpu.memref_squeeze %dma_start3A_20 : memref<1x4096xi32, #tpu.memory_space<hbm>> -> memref<4096xi32, #tpu.memory_space<hbm>>
    tpu.enqueue_dma source(%arg10 : memref<4096xi32, #tpu.memory_space<vmem>>) target(%dma_start3A_21 : memref<4096xi32, #tpu.memory_space<hbm>>) target_semaphore(%arg14 : memref<!tpu.dma_semaphore, #tpu.memory_space<semaphore_mem>>)
    %dma_start3A_22 = arith.constant 0 : i32
    %dma_start3A_23 = tpu.memref_slice %arg5[%arg1, %dma_start3A_22] : memref<16x4096xi32, #tpu.memory_space<hbm>> -> memref<1x4096xi32, #tpu.memory_space<hbm>>
    %dma_start3A_24 = tpu.memref_squeeze %dma_start3A_23 : memref<1x4096xi32, #tpu.memory_space<hbm>> -> memref<4096xi32, #tpu.memory_space<hbm>>
    %dma_start3A_25 = arith.constant 0 : i32
    %dma_start3A_26 = tpu.memref_slice %arg5[%arg1, %dma_start3A_25] : memref<16x4096xi32, #tpu.memory_space<hbm>> -> memref<1x4096xi32, #tpu.memory_space<hbm>>
    %dma_start3A_27 = tpu.memref_squeeze %dma_start3A_26 : memref<1x4096xi32, #tpu.memory_space<hbm>> -> memref<4096xi32, #tpu.memory_space<hbm>>
    tpu.enqueue_dma source(%arg11 : memref<4096xi32, #tpu.memory_space<vmem>>) target(%dma_start3A_27 : memref<4096xi32, #tpu.memory_space<hbm>>) target_semaphore(%arg14 : memref<!tpu.dma_semaphore, #tpu.memory_space<semaphore_mem>>)
    "tpu.region"() ({
      %run_scoped3A = tpu.sem_alloc : memref<!tpu.dma_semaphore, #tpu.memory_space<semaphore_mem>>
      %dma_start3A_47 = arith.constant 0 : i32
      %dma_start3A_48 = tpu.memref_slice %arg7[%arg1, %dma_start3A_47] : memref<16x16xi32, #tpu.memory_space<hbm>> -> memref<1x16xi32, #tpu.memory_space<hbm>>
      %dma_start3A_49 = tpu.memref_squeeze %dma_start3A_48 : memref<1x16xi32, #tpu.memory_space<hbm>> -> memref<16xi32, #tpu.memory_space<hbm>>
      %dma_start3A_50 = arith.constant 0 : i32
      %dma_start3A_51 = tpu.memref_slice %arg7[%arg1, %dma_start3A_50] : memref<16x16xi32, #tpu.memory_space<hbm>> -> memref<1x16xi32, #tpu.memory_space<hbm>>
      %dma_start3A_52 = tpu.memref_squeeze %dma_start3A_51 : memref<1x16xi32, #tpu.memory_space<hbm>> -> memref<16xi32, #tpu.memory_space<hbm>>
      tpu.enqueue_dma source(%arg12 : memref<16xi32, #tpu.memory_space<vmem>>) target(%dma_start3A_52 : memref<16xi32, #tpu.memory_space<hbm>>) target_semaphore(%run_scoped3A : memref<!tpu.dma_semaphore, #tpu.memory_space<semaphore_mem>>)
      %dma_wait3A_53 = arith.constant 0 : i32
      %dma_wait3A_54 = tpu.memref_slice %arg7[%arg1, %dma_wait3A_53] : memref<16x16xi32, #tpu.memory_space<hbm>> -> memref<1x16xi32, #tpu.memory_space<hbm>>
      %dma_wait3A_55 = tpu.memref_squeeze %dma_wait3A_54 : memref<1x16xi32, #tpu.memory_space<hbm>> -> memref<16xi32, #tpu.memory_space<hbm>>
      %dma_wait3A_56 = arith.constant 0 : i32
      %dma_wait3A_57 = tpu.memref_slice %arg7[%arg1, %dma_wait3A_56] : memref<16x16xi32, #tpu.memory_space<hbm>> -> memref<1x16xi32, #tpu.memory_space<hbm>>
      %dma_wait3A_58 = tpu.memref_squeeze %dma_wait3A_57 : memref<1x16xi32, #tpu.memory_space<hbm>> -> memref<16xi32, #tpu.memory_space<hbm>>
      tpu.wait_dma2 semaphore(%run_scoped3A : memref<!tpu.dma_semaphore, #tpu.memory_space<semaphore_mem>>) src(%arg12 : memref<16xi32, #tpu.memory_space<vmem>>) dst(%dma_wait3A_58 : memref<16xi32, #tpu.memory_space<hbm>>)
      tpu.yield
    }) : () -> ()
    %barrier3A = arith.constant 0 : index
    tpu.barrier barrier_id(%barrier3A)
    %eq3A = arith.constant 0 : i32
    %eq3A_28 = arith.cmpi eq, %arg1, %eq3A : i32
    %convert_element_type3A = arith.extui %eq3A_28 : i1 to i32
    %cond3A = arith.constant 0 : i32
    %cond3A_29 = arith.cmpi ne, %convert_element_type3A, %cond3A : i32
    scf.if %cond3A_29 {
      "tpu.region"() ({
        %run_scoped3A = tpu.sem_alloc : memref<!tpu.dma_semaphore, #tpu.memory_space<semaphore_mem>>
        tpu.enqueue_dma source(%arg7 : memref<16x16xi32, #tpu.memory_space<hbm>>) target(%arg13 : memref<16x16xi32, #tpu.memory_space<vmem>>) target_semaphore(%run_scoped3A : memref<!tpu.dma_semaphore, #tpu.memory_space<semaphore_mem>>)
        tpu.wait_dma2 semaphore(%run_scoped3A : memref<!tpu.dma_semaphore, #tpu.memory_space<semaphore_mem>>) src(%arg7 : memref<16x16xi32, #tpu.memory_space<hbm>>) dst(%arg13 : memref<16x16xi32, #tpu.memory_space<vmem>>)
        tpu.yield
      }) : () -> ()
      %iota3A = tpu.iota {dimensions = array<i32: 0>} : vector<16xi32>
      %gather3A = tpu.vector_load_idx %arg13[%iota3A, %iota3A] : memref<16x16xi32, #tpu.memory_space<vmem>>[vector<16xi32>, vector<16xi32>], vector<16xi32>,
      %swap3A_47 = arith.constant 0 : index
      %swap3A_48 = tpu.vector_load %arg12[%swap3A_47] {strides = array<i32>} : memref<16xi32, #tpu.memory_space<vmem>>, vector<16xi32>,
      tpu.vector_store %arg12[%swap3A_47], %gather3A {strides = array<i32>} : memref<16xi32, #tpu.memory_space<vmem>>, vector<16xi32>,
      "tpu.region"() ({
        %run_scoped3A = tpu.sem_alloc : memref<!tpu.dma_semaphore, #tpu.memory_space<semaphore_mem>>
        tpu.enqueue_dma source(%arg12 : memref<16xi32, #tpu.memory_space<vmem>>) target(%arg6 : memref<16xi32, #tpu.memory_space<hbm>>) target_semaphore(%run_scoped3A : memref<!tpu.dma_semaphore, #tpu.memory_space<semaphore_mem>>)
        tpu.wait_dma2 semaphore(%run_scoped3A : memref<!tpu.dma_semaphore, #tpu.memory_space<semaphore_mem>>) src(%arg12 : memref<16xi32, #tpu.memory_space<vmem>>) dst(%arg6 : memref<16xi32, #tpu.memory_space<hbm>>)
        tpu.yield
      }) : () -> ()
    } else {
    }
    %dma_wait3A = arith.constant 0 : i32
    %dma_wait3A_30 = tpu.memref_slice %arg3[%arg1, %dma_wait3A] : memref<16x4096xi32, #tpu.memory_space<hbm>> -> memref<1x4096xi32, #tpu.memory_space<hbm>>
    %dma_wait3A_31 = tpu.memref_squeeze %dma_wait3A_30 : memref<1x4096xi32, #tpu.memory_space<hbm>> -> memref<4096xi32, #tpu.memory_space<hbm>>
    %dma_wait3A_32 = arith.constant 0 : i32
    %dma_wait3A_33 = tpu.memref_slice %arg3[%arg1, %dma_wait3A_32] : memref<16x4096xi32, #tpu.memory_space<hbm>> -> memref<1x4096xi32, #tpu.memory_space<hbm>>
    %dma_wait3A_34 = tpu.memref_squeeze %dma_wait3A_33 : memref<1x4096xi32, #tpu.memory_space<hbm>> -> memref<4096xi32, #tpu.memory_space<hbm>>
    tpu.wait_dma2 semaphore(%arg14 : memref<!tpu.dma_semaphore, #tpu.memory_space<semaphore_mem>>) src(%arg9 : memref<4096xi32, #tpu.memory_space<vmem>>) dst(%dma_wait3A_34 : memref<4096xi32, #tpu.memory_space<hbm>>)
    %dma_wait3A_35 = arith.constant 0 : i32
    %dma_wait3A_36 = tpu.memref_slice %arg4[%arg1, %dma_wait3A_35] : memref<16x4096xi32, #tpu.memory_space<hbm>> -> memref<1x4096xi32, #tpu.memory_space<hbm>>
    %dma_wait3A_37 = tpu.memref_squeeze %dma_wait3A_36 : memref<1x4096xi32, #tpu.memory_space<hbm>> -> memref<4096xi32, #tpu.memory_space<hbm>>
    %dma_wait3A_38 = arith.constant 0 : i32
    %dma_wait3A_39 = tpu.memref_slice %arg4[%arg1, %dma_wait3A_38] : memref<16x4096xi32, #tpu.memory_space<hbm>> -> memref<1x4096xi32, #tpu.memory_space<hbm>>
    %dma_wait3A_40 = tpu.memref_squeeze %dma_wait3A_39 : memref<1x4096xi32, #tpu.memory_space<hbm>> -> memref<4096xi32, #tpu.memory_space<hbm>>
    tpu.wait_dma2 semaphore(%arg14 : memref<!tpu.dma_semaphore, #tpu.memory_space<semaphore_mem>>) src(%arg10 : memref<4096xi32, #tpu.memory_space<vmem>>) dst(%dma_wait3A_40 : memref<4096xi32, #tpu.memory_space<hbm>>)
    %dma_wait3A_41 = arith.constant 0 : i32
    %dma_wait3A_42 = tpu.memref_slice %arg5[%arg1, %dma_wait3A_41] : memref<16x4096xi32, #tpu.memory_space<hbm>> -> memref<1x4096xi32, #tpu.memory_space<hbm>>
    %dma_wait3A_43 = tpu.memref_squeeze %dma_wait3A_42 : memref<1x4096xi32, #tpu.memory_space<hbm>> -> memref<4096xi32, #tpu.memory_space<hbm>>
    %dma_wait3A_44 = arith.constant 0 : i32
    %dma_wait3A_45 = tpu.memref_slice %arg5[%arg1, %dma_wait3A_44] : memref<16x4096xi32, #tpu.memory_space<hbm>> -> memref<1x4096xi32, #tpu.memory_space<hbm>>
    %dma_wait3A_46 = tpu.memref_squeeze %dma_wait3A_45 : memref<1x4096xi32, #tpu.memory_space<hbm>> -> memref<4096xi32, #tpu.memory_space<hbm>>
    tpu.wait_dma2 semaphore(%arg14 : memref<!tpu.dma_semaphore, #tpu.memory_space<semaphore_mem>>) src(%arg11 : memref<4096xi32, #tpu.memory_space<vmem>>) dst(%dma_wait3A_46 : memref<4096xi32, #tpu.memory_space<hbm>>)
    return
  }
}

</mosaic_0001>

<sc_bundles>
// kernel: kernel.3.cloned.1.call-start
scs
__scs_entry_jumppad:
0x0: {  	(pc) =	sbr.rel $0x88, $3  }
0x1: {  	(tag) =	ssettag $0x0;
	lr =	simm.s32 $0x1  }
0x2: {  	[smem:$0x3FA0] =	sst lr;
	_ =	strace $0xD0000000  }
0x3: {  	_ = 	snop  }
0x4: {  	_ = 	snop  }
0x5: {  	_ = 	snop  }
0x6: {  	_ = 	snop  }
0x7: {  	_ = 	snop  }
__scs_overlays_trampoline_lowered:
0x8: {  	[smem:$0x3FAF] =	sst s0  }
0x9: {  	[smem:$0x3FB0] =	sst s1  }
0xa: {  	[smem:$0x3FB1] =	sst s2  }
0xb: {  	[smem:$0x3FB2] =	sst s3  }
0xc: {  	[smem:$0x3FB3] =	sst s4  }
0xd: {  	[smem:$0x3FB4] =	sst s5  }
0xe: {  	[smem:$0x3FB5] =	sst s6  }
0xf: {  	[smem:$0x3FB6] =	sst s7  }
0x10: {  	[smem:$0x3FB7] =	sst s8  }
0x11: {  	[smem:$0x3FB8] =	sst s9;
	s0 =	simm.s32 @!p0 $0x0  }
0x12: {  	s1 =	sld [smem:$0x3F9E];
	s0 =	simm.s32 @p0 $0x1  }
0x13: {  	[smem:$0x3FB9] =	sst s0;
	s0 =	simm.s32 @!p1 $0x0  }
0x14: {  	s2 =	sld [smem:$0x3F9D];
	s0 =	simm.s32 @p1 $0x1  }
0x15: {  	[smem:$0x3FBA] =	sst s0;
	s0 =	simm.s32 @!p2 $0x0  }
0x16: {  	s3 =	sld [smem:$0x3FDB];
	s0 =	simm.s32 @p2 $0x1  }
0x17: {  	s4 =	simm.s32 $0x1BF5;
	[smem:$0x3FBC] =	sst s0  }
0x18: {  	s0 =	sld [smem:$0x3F9F];
	_ =	swait.ge [sflag:s4], $0x0  }
0x19: {  	s7 =	sld [smem:$0x3FA0]  }
0x1a: {  	s8 =	sadd.s32 $0xFFFFE003, lr  }
0x1b: {  	s9 =	sadd.s32 $0xFFFFFEF7, lr;
	s5 =	simm.s32 $0xFFFFFFFF;
	p2 =	slt.u32 s8, $0xFFFFF086  }
0x1c: {  	p1 =	slt.u32 s9, $0xF7A;
	s5 =	simm.s32 @!p2 $0x0  }
0x1d: {  	s5 =	simm.s32 @p1 $0x1;
	p0 =	seq.s32 s7, s2  }
0x1e: {  	s7 =	smul.u32 @!p0 $0xF7A, s2;
	p2 =	seq.s32 @!p0 s5, $0x0  }
0x1f: {  	s9 =	smul.u32 $0xF7A, s1;
	s8 =	simm.s32 @!p0 $0x1BF5;
	p2 =	por !p2, p0  }
0x20: {  	[sflag:s8] =	ssyncset.s32 @!p0 $0xFFFFF086;
	s6 =	sadd.s32 @!p0 s3, s7;
	s7 =	simm.s32 @!p0 $0x108  }
0x21: {  	s3 =	sadd.s32 s3, s9;
	s6 =	sadd.s32 @!p0 $0x88, s6;
	s7 =	simm.s32 @p2 $0x1082  }
0x22: {  	[simem:s7], [sflag:s8] =	dma.local @!p0 [hbm:s6], $0xF7A  }
0x23: {  	s9 =	sor.u32 $0xD0000000, s2;
	s6 =	simm.s32 $0x108;
	_ =	swait.ge @!p0 [sflag:s8], $0x0  }
0x24: {  	s3 =	sadd.s32 $0x88, s3;
	s6 =	simm.s32 @!p1 $0x1082;
	[sflag:s4] =	ssyncset.s32 $0xFFFFF086  }
0x25: {  	[simem:s6], [sflag:s4] =	dma.local [hbm:s3], $0xF7A  }
0x26: {  	[smem:$0x3FA0] =	sst s1;
	(tag) =	ssettag s2;
	_ =	strace s9  }
0x27: {  	s1 =	sld [smem:$0x3FB0]  }
0x28: {  	s2 =	sld [smem:$0x3FB1]  }
0x29: {  	s4 =	sld [smem:$0x3FB3]  }
0x2a: {  	p0 =	seq.s32 s5, $0x0;
	s5 =	sld [smem:$0x3FB4]  }
0x2b: {  	s6 =	sld [smem:$0x3FB5]  }
0x2c: {  	s7 =	sld [smem:$0x3FB6]  }
0x2d: {  	s3 =	simm.s32 $0x108;
	s8 =	sld [smem:$0x3FB7]  }
0x2e: {  	s3 =	simm.s32 @!p0 $0x1082;
	s9 =	sld [smem:$0x3FB8]  }
0x2f: {  	lr =	sadd.s32 s0, s3;
	s0 =	sld [smem:$0x3FAF]  }
0x30: {  	s3 =	sld [smem:$0x3FB2]  }
0x31: {  	[smem:$0x3FBB] =	sst s10  }
0x32: {  	s10 =	sld [smem:$0x3FB9];
	_ =	sdelay $0x3  }
0x33: {  	p0 =	seq.s32 s10, $0x1;
	s10 =	sld [smem:$0x3FBB];
	_ =	sdelay $0x3  }
0x34: {  	[smem:$0x3FBB] =	sst s10  }
0x35: {  	s10 =	sld [smem:$0x3FBA];
	_ =	sdelay $0x3  }
0x36: {  	p1 =	seq.s32 s10, $0x1;
	s10 =	sld [smem:$0x3FBB];
	_ =	sdelay $0x3  }
0x37: {  	[smem:$0x3FBB] =	sst s10  }
0x38: {  	s10 =	sld [smem:$0x3FBC]  }
0x39: {  	_ = 	snop;
	(pc) =	sbr.ind lr, $3  }
0x3a: {  	_ = 	snop  }
0x3b: {  	_ = 	snop  }
0x3c: {  	p2 =	seq.s32 s10, $0x1;
	s10 =	sld [smem:$0x3FBB]  }
0x3d: {  	_ =	shalt  }
0x3e: {  	_ =	shalt  }
0x3f: {  	_ =	shalt  }
0x40: {  	_ =	shalt  }
0x41: {  	_ =	shalt  }
0x42: {  	_ =	shalt  }
0x43: {  	_ =	shalt  }
0x44: {  	_ =	shalt  }
0x45: {  	_ =	shalt  }
0x46: {  	_ =	shalt  }
0x47: {  	_ =	shalt  }
0x48: {  	_ =	shalt  }
0x49: {  	_ =	shalt  }
0x4a: {  	_ =	shalt  }
0x4b: {  	_ =	shalt  }
0x4c: {  	_ =	shalt  }
0x4d: {  	_ =	shalt  }
0x4e: {  	_ =	shalt  }
0x4f: {  	_ =	shalt  }
0x50: {  	_ =	shalt  }
0x51: {  	_ =	shalt  }
0x52: {  	_ =	shalt  }
0x53: {  	_ =	shalt  }
0x54: {  	_ =	shalt  }
0x55: {  	_ =	shalt  }
0x56: {  	_ =	shalt  }
0x57: {  	_ =	shalt  }
0x58: {  	_ =	shalt  }
0x59: {  	_ =	shalt  }
0x5a: {  	_ =	shalt  }
0x5b: {  	_ =	shalt  }
0x5c: {  	_ =	shalt  }
0x5d: {  	_ =	shalt  }
0x5e: {  	_ =	shalt  }
0x5f: {  	_ =	shalt  }
0x60: {  	_ =	shalt  }
0x61: {  	_ =	shalt  }
0x62: {  	_ =	shalt  }
0x63: {  	_ =	shalt  }
0x64: {  	_ =	shalt  }
0x65: {  	_ =	shalt  }
0x66: {  	_ =	shalt  }
0x67: {  	_ =	shalt  }
0x68: {  	_ =	shalt  }
0x69: {  	_ =	shalt  }
0x6a: {  	_ =	shalt  }
0x6b: {  	_ =	shalt  }
0x6c: {  	_ =	shalt  }
0x6d: {  	_ =	shalt  }
0x6e: {  	_ =	shalt  }
0x6f: {  	_ =	shalt  }
0x70: {  	_ =	shalt  }
0x71: {  	_ =	shalt  }
0x72: {  	_ =	shalt  }
0x73: {  	_ =	shalt  }
0x74: {  	_ =	shalt  }
0x75: {  	_ =	shalt  }
0x76: {  	_ =	shalt  }
0x77: {  	_ =	shalt  }
0x78: {  	_ =	shalt  }
0x79: {  	_ =	shalt  }
0x7a: {  	_ =	shalt  }
0x7b: {  	_ =	shalt  }
0x7c: {  	_ =	shalt  }
0x7d: {  	_ =	shalt  }
0x7e: {  	_ =	shalt  }
0x7f: {  	_ =	shalt  }
0x80: {  	_ =	shalt  }
0x81: {  	_ =	shalt  }
0x82: {  	_ =	shalt  }
0x83: {  	_ =	shalt  }
0x84: {  	_ =	shalt  }
0x85: {  	_ =	shalt  }
0x86: {  	_ =	shalt  }
0x87: {  	_ =	shalt  }
.Lfunc_end0:
.L_simem_size_0:
called_computation_lowered:
.L_overlay_start_0:
0x88: {  	s0 =	sld [smem:$0x3FD9]  }
0x89: {  	s1 =	sld [smem:$0x3FFE];
	_ =	sdelay $0x3  }
0x8a: {  	s0 =	sadd.s32 s1, s0  }
0x8b: {  	[smem:$0x3FC7] =	sst s0  }
0x8c: {  	_ = 	snop  }
0x8d: {  	s0 =	sld [smem:$0x3FD0];
	_ =	sdelay $0x2  }
0x8e: {  	s2 =	simm.s32 $0xA;
	s3 =	simm.s32 $0x10;
	s13 =	sld [smem:$0x3FC9]  }
0x8f: {  	[smem:s3], [sflag:s2] =	dma.local [hbm:s0], $0x1  }
0x90: {  	_ =	swait.eq [sflag:s2], $0x1  }
0x91: {  	s14 =	sld [smem:$0x10]  }
0x92: {  	s15 =	sld [smem:$0x11];
	[sflag:s2] =	ssyncset.done $0x0  }
0x93: {  	s4 =	sld [smem:$0x12];
	[sflag:s2] =	ssyncadd.s32 $0xFFFFFFFF  }
0x94: {  	s16 =	sld [smem:$0x13];
	(tm) =	ssettm $0x1  }
0x95: {  	s5 =	sld [smem:$0x3FFB];
	_ =	sdelay $0x3  }
0x96: {  	_ =	strace s5  }
0x97: {  	s5 =	sld [smem:$0x3FFC];
	_ =	sdelay $0x3  }
0x98: {  	_ =	strace s5  }
0x99: {  	s5 =	sld [smem:$0x3FFD];
	_ =	sdelay $0x3  }
0x9a: {  	_ =	strace s5  }
0x9b: {  	_ =	strace $0x8FFFFFFF  }
0x9c: {  	s17 =	sld [smem:$0x3FDB];
	_ =	sdelay $0x1  }
0x9d: {  	s6 =	simm.s32 $_scs_section_size  }
0x9e: {  	s7 =	simm.s32 $_size__tile_overlayer_lowered;
	s8 =	simm.s32 $_tile_overlayer_lowered  }
0x9f: {  	s20 =	simm.s32 $0x1BFF;
	s19 =	sshll.u32 s8, $0x1;
	s5 =	sadd.s32 s6, s17  }
0xa0: {  	s9 =	simm.s32 $0x0;
	s18 =	sshll.u32 s7, $0x1;
	s7 =	sadd.s32 s19, s5  }
0xa1: {  	[timem:s9], [sflag:s20] =	dma.local [hbm:s7], s18  }
0xa2: {  	_ =	swait.ge [sflag:s20], s18  }
0xa3: {  	s6 =	ssub.s32 $0x0, s18;
	[sflag:s20] =	ssyncset.done $0x0  }
0xa4: {  	[sflag:s20] =	ssyncadd.s32 s6;
	_ =	sdelay $0x1  }
0xa5: {  	s21 =	simm.s32 $0x1B8B  }
0xa6: {  	_ =	swait.ge [sflag:s21], $0x1  }
0xa7: {  	[sflag:s21] =	ssyncset.done $0x0  }
0xa8: {  	s23 =	simm.s32 $0x1B8E;
	s22 =	sld [smem:$0x3FFE];
	[sflag:s21] =	ssyncadd.s32 $0xFFFFFFFF  }
0xa9: {  	s24 =	simm.s32 $execute0_lowered;
	[smem:$0x3FD2] =	sst s23  }
0xaa: {  	s7 =	sshll.u32 s24, $0x1;
	_ =	strace $0x80000046;
	[dreg:$0x1] =	wrdreg $0xFFFFFFFF  }
0xab: {  	s25 =	simm.s32 $_size_execute0_lowered;
	s5 =	sadd.s32 s5, s7;
	[dreg:$0x0] =	wrdreg $0x0  }
0xac: {  	s7 =	sshll.u32 s25, $0x1;
	[dreg:$0x2] =	wrdreg s5  }
0xad: {  	[dreg:$0x3] =	wrdreg s7  }
0xae: {  	[dreg:$0x4] =	wrdreg $0xC0  }
0xaf: {  	_ =	task [dreg:s9], $0x5FFFF  }
0xb0: {  	[dreg:$0x1] =	wrdreg $0xFFFFFFFF  }
0xb1: {  	[dreg:$0x0] =	wrdreg $0x60  }
0xb2: {  	[dreg:$0x2] =	wrdreg s13  }
0xb3: {  	[dreg:$0x3] =	wrdreg s14  }
0xb4: {  	[dreg:$0x4] =	wrdreg s15  }
0xb5: {  	[dreg:$0x5] =	wrdreg s4  }
0xb6: {  	[dreg:$0x6] =	wrdreg s16  }
0xb7: {  	[dreg:$0x7] =	wrdreg s22  }
0xb8: {  	[dreg:$0x8] =	wrdreg $0x9  }
0xb9: {  	_ =	task.clear_ibuf [dreg:s9], $0x9FFFF;
	_ =	strace $0x90000046  }
0xba: {  	s26 =	simm.s32 $0x9;
	_ =	strace $0x80000048  }
0xbb: {  	_ =	swait.ge [sflag:s26], $0x1  }
0xbc: {  	[sflag:s26] =	ssyncadd.s32 $0xFFFFFFFF  }
0xbd: {  	_ =	strace $0x90000048  }
0xbe: {  	_ =	sfence  }
0xbf: {  	s28 =	sld [smem:$0x0];
	_ =	sdelay $0x1  }
0xc0: {  	s29 =	srdreg.scid  }
0xc1: {  	s30 =	sshll.u32 s29, $0xD;
	s31 =	sshrl.u32 s29, $0x2  }
0xc2: {  	s1 =	sand.u32 $0x1, s29;
	s2 =	sand.u32 $0x4000, s30;
	s0 =	sadd.s32 s31, s28  }
0xc3: {  	s1 =	sor.u32 s2, s1;
	s0 =	sshll.u32 s0, $0x11  }
0xc4: {  	s0 =	sor.u32 s0, s1  }
0xc5: {  	s0 =	sadd.s32 $0x8F2B, s0  }
0xc6: {  	[sflag:s0] =	ssyncadd.remote.s32 $0x1  }
0xc7: {  	_ =	sfence.sel $0xFFFF  }
0xc8: {  	[dreg:$0x0] =	wrdreg $0xFFFFFFFF;
	(pc) =	sbr.abs _section_cstart, $3  }
0xc9: {  	[dreg:$0x1] =	wrdreg $0xFFFFFFFF  }
0xca: {  	_ =	task.clear_ibuf [dreg:s9], $0x2FFFF;
	_ =	strace $0x9FFFFFFF  }
0xcb: {  	(tm) =	ssettm $0x7FFFFFFF  }
tec
execute0_lowered:
.L_overlay_start_1:
0x0: {  	(tag) =	ssettag $0x1  }
0x1: {  	s5 =	rddreg [dreg:$0x0]  }
0x2: {  	s7 =	rddreg [dreg:$0x1]  }
0x3: {  	s4 =	rddreg [dreg:$0x2]  }
0x4: {  	s3 =	rddreg [dreg:$0x3]  }
0x5: {  	s1 =	rddreg [dreg:$0x4]  }
0x6: {  	s10 =	rddreg [dreg:$0x5]  }
0x7: {  	s0 =	rddreg [dreg:$0x6];
	s2 =	stileid.u32  }
0x8: {  	s8 =	simm.s32 $0x0;
	s6 =	sshrl.u32 s2, $0x3;
	s9 =	sshll.u32 s2, $0x7  }
0x9: {  	[smem:$0x7FF] =	sst s8;
	s8 =	sand.u32 $0x380, s9;
	s30 =	sshll.u32 s6, $0xF  }
0xa: {  	v0 =	vimm.s32 $0x0;
	s11 =	simm.s32 $0x400;
	s12 =	simm.s32 $0x80;
	s9 =	sor.u32 s8, s30  }
0xb: {  	s31 =	simm.s32 $0x2;
	_ =	strace $0x80000047;
	[tilespmem:$0x70] =	vst v0;
	s9 =	sshrl.u32 s9, $0x3  }
0xc: {  	s13 =	simm.s32 $0x3120;
	s14 =	simm.s32 $0x1120;
	[tilespmem:$0x1080] =	vst v0;
	s5 =	sadd.s32 s5, s9  }
0xd: {  	[tilespmem:s12], [sflag:$0x2] =	stream.strided.gather [hbm4b:s5+s12], $0x1000, s11, s12, $0x38;
	[tilespmem:$0x4980] =	vst v63  }
0xe: {  	s15 =	simm.s32 $0x2100;
	s16 =	simm.s32 $0x3100;
	_ =	swait.ge [sflag:s31], $0x1000  }
0xf: {  	v1 =	vlaneseq.u32;
	s5 =	sadd.s32 $0x800, s10;
	s10 =	simm.s32 $0x30;
	[sflag:s31] =	ssyncset.done $0x0  }
0x10: {  	v2 =	vimm.s32 $0xFFFFFFFF;
	v4 =	vimm.s32 $0x0;
	v3 =	vadd.s32 $0x1, v1;
	s11 =	simm.s32 $0xB1;
	s12 =	simm.s32 $0x2120;
	[sflag:s31] =	ssyncadd.s32 $0xFFFFF000  }
.LBB2_1:
0x11: {  	s17 =	sadd.s32 $0xFFFFFFD0, s10;
	[tilespmem:s12+$0xFFFFFFE0] =	vst v2  }
0x12: {  	[tilespmem:s13+$0xFFFFFFE0] =	vst v2;
	s18 =	sand.u32 $0xFC0, s17  }
0x13: {  	v5 =	vld [tilespmem:s18+$0x80]  }
0x14: {  	v6 =	vld [tilespmem:s11+$0xFFFFFFCE]  }
0x15: {  	v7 =	vld [tilespmem:s11+$0xFFFFFFD0];
	[tilespmem:s12+$0xFFFFFFF0] =	vst v2  }
0x16: {  	[tilespmem:s13+$0xFFFFFFF0] =	vst v2  }
0x17: {  	v8 =	vld [tilespmem:s11+$0xFFFFFFDF]  }
0x18: {  	v9 =	vld [tilespmem:s11+$0xFFFFFFDE]  }
0x19: {  	v10 =	vld [tilespmem:s11+$0xFFFFFFE0];
	[tilespmem:s12+$0x0] =	vst v2  }
0x1a: {  	[tilespmem:s13+$0x0] =	vst v2  }
0x1b: {  	v11 =	vld [tilespmem:s11+$0xFFFFFFEF]  }
0x1c: {  	v12 =	vld [tilespmem:s11+$0xFFFFFFEE];
	vm7 =	vne.s32 v5, $0x0;
	vm0 =	veq.s32 v6, $0x0  }
0x1d: {  	v5 =	vld [tilespmem:s11+$0xFFFFFFF0];
	[tilespmem:s12+$0x10] =	vst v2;
	vm6 =	vmand vm7, vm0  }
0x1e: {  	[tilespmem:s13+$0x10] =	vst v2;
	v6 =	vsel vm6, $0x1, v0  }
0x1f: {  	vm5 =	vne.s32 v8, $0x0;
	vm12 =	veq.s32 v9, $0x0;
	v53 =	vld [tilespmem:s11+$0xFFFFFFFE];
	(xrf0) =	vadd.scan.msk.s32 $0xffff, v6  }
0x20: {  	v6 =	vld [tilespmem:s11+$0xFFFFFFFF];
	vm4 =	vmand vm5, vm12  }
0x21: {  	v54 =	vsel vm4, $0x1, v0  }
0x22: {  	vm2 =	vne.s32 v11, $0x0;
	vm13 =	veq.s32 v12, $0x0;
	(xrf0) =	vadd.scan.msk.s32 $0xffff, v54  }
0x23: {  	vm0 =	vmand vm2, vm13  }
0x24: {  	v55 =	vsel vm0, $0x1, v0  }
0x25: {  	vm8 =	veq.s32 v7, $0x0;
	vm1 =	veq.s32 v53, $0x0;
	vm3 =	vne.s32 v6, $0x0;
	v7, _, _ =	vpop (xrf0);
	(xrf0) =	vadd.scan.msk.s32 $0xffff, v55  }
0x26: {  	v6 =	vmpcnt.ones.xlane vm6;
	vm1 =	vmand vm3, vm1;
	v7 =	vadd.s32 v7, v4  }
0x27: {  	vm9 =	vmand vm7, vm8;
	v56 =	vsel vm1, $0x1, v0;
	v7 =	vadd.s32 $0xFFFFFFFF, v7  }
0x28: {  	vm14 =	veq.s32 v10, $0x0;
	v4 =	vadd.s32 v4, v6;
	v57, _, _ =	vpop (xrf0);
	(xrf0) =	vadd.scan.msk.s32 $0xffff, v56;
	vm10 =	vgt.s32 v7, $0x0  }
0x29: {  	v6 =	vmpcnt.ones.xlane vm4;
	v9 =	vadd.s32 v57, v4;
	v58 =	vnsel vm10, $0x0, v7  }
0x2a: {  	vm8 =	vmand vm5, vm14;
	vm15 =	veq.s32 v5, $0x0;
	v5 =	vadd.s32 $0xFFFFFFFF, v9  }
0x2b: {  	v60 =	vmpcnt.ones.xlane vm0;
	v4 =	vadd.s32 v4, v6;
	vm11 =	vgt.s32 v5, $0x0;
	v59, _, _ =	vpop (xrf0)  }
0x2c: {  	v6 =	vld [tilespmem:s11+$0x0];
	v7 =	vnsel vm7, $0xFFFFFFFF, v7;
	v61 =	vnsel vm11, $0x0, v5;
	v9 =	vadd.s32 v59, v4  }
0x2d: {  	vm12 =	vmand vm2, vm15;
	[tilespmem:s14+$0xFFFFFFE0] =	vst v7;
	v7 =	vor.u32 s17, v1;
	v9 =	vadd.s32 $0xFFFFFFFF, v9  }
0x2e: {  	v4 =	vadd.s32 v4, v60;
	v62, _, _ =	vpop (xrf0);
	[tilespmem:v58+s15+$0x0] =	vst.idx.msk vm6, v7;
	v7 =	vor.u32 s17, v3;
	vm13 =	vgt.s32 v9, $0x0  }
0x2f: {  	s30 =	sadd.s32 $0xFFFFFFE0, s10;
	v5 =	vnsel vm5, $0xFFFFFFFF, v5;
	v63 =	vadd.s32 v62, v4;
	[tilespmem:v58+s16+$0x0] =	vst.idx.msk vm9, v7;
	v7 =	vnsel vm13, $0x0, v9  }
0x30: {  	v8 =	vadd.s32 $0xFFFFFFFF, v63;
	[tilespmem:s14+$0xFFFFFFF0] =	vst v5;
	v5 =	vor.u32 s30, v1  }
0x31: {  	vm14 =	veq.s32 v6, $0x0;
	vm15 =	vgt.s32 v8, $0x0;
	[tilespmem:v61+s15+$0x0] =	vst.idx.msk vm4, v5;
	v5 =	vadd.s32 s30, v3  }
0x32: {  	s31 =	sadd.s32 $0xFFFFFFF0, s10;
	vm5 =	vmand vm3, vm14;
	v6 =	vnsel vm15, $0x0, v8;
	[tilespmem:v61+s16+$0x0] =	vst.idx.msk vm8, v5;
	v5 =	vnsel vm2, $0xFFFFFFFF, v9  }
0x33: {  	p0 =	sne.s32 s10, $0xFF0;
	[tilespmem:s14+$0x0] =	vst v5;
	v5 =	vor.u32 s31, v1  }
.Ltmp0:
0x34: {  	[tilespmem:v7+s15+$0x0] =	vst.idx.msk vm0, v5;
	v5 =	vor.u32 s31, v3;
	(pc) =	sbr.rel @p0 .LBB2_1-.Ltmp0, $4  }
0x35: {  	[tilespmem:v7+s16+$0x0] =	vst.idx.msk vm12, v5;
	v5 =	vnsel vm3, $0xFFFFFFFF, v8  }
0x36: {  	v7 =	vmpcnt.ones.xlane vm1;
	[tilespmem:s14+$0x10] =	vst v5;
	v5 =	vor.u32 s10, v1  }
0x37: {  	s12 =	sadd.s32 $0x40, s12;
	s13 =	sadd.s32 $0x40, s13;
	[tilespmem:v6+s15+$0x0] =	vst.idx.msk vm1, v5;
	v5 =	vadd.s32 s10, v3  }
0x38: {  	s11 =	sadd.s32 $0x40, s11;
	s14 =	sadd.s32 $0x40, s14;
	v4 =	vadd.s32 v4, v7;
	s10 =	sadd.s32 $0x40, s10;
	[tilespmem:v6+s16+$0x0] =	vst.idx.msk vm5, v5  }
0x39: {  	s7 =	sadd.s32 s7, s9  }
0x3a: {  	[tilespmem:$0x4100] =	vst v4;
	s10 =	simm.s32 $0x80;
	s11 =	simm.s32 $0x400;
	s12 =	simm.s32 $0x1100  }
0x3b: {  	[hbm4b:s7+s10] =	stream.strided.scatter [tilespmem:s12], [sflag:$0x1], $0x1000, s11, s10, $0x38;
	[tilespmem:$0x4980] =	vst v63  }
0x3c: {  	s4 =	sadd.s32 s4, s9;
	s23 =	simm.s32 $0x2100;
	s24 =	sshll.u32 s6, $0xA  }
0x3d: {  	[hbm4b:s4+s10] =	stream.strided.scatter [tilespmem:s23], [sflag:$0x1], $0x1000, s11, s10, $0x38;
	[tilespmem:$0x4980] =	vst v63  }
0x3e: {  	s3 =	sadd.s32 s3, s9;
	s4 =	sor.u32 s8, s24  }
0x3f: {  	s25 =	simm.s32 $0x3100;
	s28 =	simm.s32 $0x0;
	s4 =	sshrl.u32 s4, $0x3  }
0x40: {  	[hbm4b:s3+s10] =	stream.strided.scatter [tilespmem:s25], [sflag:$0x1], $0x1000, s11, s10, $0x38;
	[tilespmem:$0x4980] =	vst v63  }
0x41: {  	s29 =	simm.s32 $0x4100;
	s30 =	simm.s32 $0x2;
	s26 =	sadd.s32 s5, s4  }
0x42: {  	[hbm4b:s26+s28] =	stream.linear.scatter [tilespmem:s29], [sflag:$0x2], $0x80, $0x38;
	[tilespmem:$0x4980] =	vst v63  }
0x43: {  	p0 =	sne.s32 s2, $0x0;
	_ =	swait.ge [sflag:s30], $0x80  }
0x44: {  	v0 =	vlaneseq.u32 @!p0;
	[sflag:s30] =	ssyncset.done $0x0  }
0x45: {  	s2 =	simm.s32 @!p0 $0x0;
	v0 =	vmul.u32 @!p0 $0x81, v0;
	[sflag:s30] =	ssyncadd.s32 $0xFFFFFF80  }
0x46: {  	s3 =	simm.s32 @!p0 $0x4180;
	s4 =	simm.s32 @!p0 $0x2;
	[bflag:$0x0] =	sbarrier.arrive $0xFFFF  }
0x47: {  	[tilespmem:s3], [sflag:$0x2] =	stream.linear.gather @!p0 [hbm4b:s5+s2], $0x800, $0x38;
	[tilespmem:$0x4980] =	vst v63  }
0x48: {  	_ =	swait.ge @!p0 [sflag:s4], $0x800  }
0x49: {  	[sflag:s4] =	ssyncset.done @!p0 $0x0  }
0x4a: {  	[sflag:s4] =	ssyncadd.s32 @!p0 $0xFFFFF800  }
0x4b: {  	v0 =	vld.idx.msk @!p0 [tilespmem:v0+s3+$0x0], $0xffff;
	_ =	sdelay $0x4  }
0x4c: {  	s3 =	simm.s32 @!p0 $0x4100;
	[tilespmem:$0x4100] =	vst @!p0 v0  }
0x4d: {  	[hbm4b:s1+s2] =	stream.linear.scatter @!p0 [tilespmem:s3], [sflag:$0x2], $0x80, $0x38;
	[tilespmem:$0x4980] =	vst v63  }
0x4e: {  	_ =	swait.ge @!p0 [sflag:s4], $0x80  }
0x4f: {  	[sflag:s4] =	ssyncset.done @!p0 $0x0  }
0x50: {  	s31 =	simm.s32 $0x1;
	[sflag:s4] =	ssyncadd.s32 @!p0 $0xFFFFFF80  }
0x51: {  	_ =	swait.ge [sflag:s31], $0x1000  }
0x52: {  	[sflag:s31] =	ssyncset.done $0x0  }
0x53: {  	[sflag:s31] =	ssyncadd.s32 $0xFFFFF000  }
0x54: {  	_ =	swait.ge [sflag:s31], $0x1000  }
0x55: {  	[sflag:s31] =	ssyncset.done $0x0  }
0x56: {  	[sflag:s31] =	ssyncadd.s32 $0xFFFFF000  }
0x57: {  	_ =	swait.ge [sflag:s31], $0x1000  }
0x58: {  	[sflag:s31] =	ssyncset.done $0x0  }
0x59: {  	[sflag:s31] =	ssyncadd.s32 $0xFFFFF000  }
0x5a: {  	_ =	sfence.sel $0x180000  }
0x5b: {  	[bflag:$0x0] =	sbarrier.arrive $0xFFFF  }
0x5c: {  	_ =	strace $0x90000047  }
0x5d: {  	s0 =	sadd.s32 @!p0 $0x100000, s0;
	[bflag:$0x2] =	sbarrier.arrive $0xFFFF  }
0x5e: {  	[sflag:s0] =	ssyncadd.tile.s32 @!p0 $0x1;
	_ =	shalt  }
.Lfunc_end2:
_tile_overlayer_lowered:
.L_overlay_start_2:
0x5f: {  	(tag) =	ssettag $0x2  }
0x60: {  	s0 =	rddreg [dreg:$0x0];
	s2 =	stileid.u32  }
0x61: {  	s1 =	rddreg [dreg:$0x1];
	p0 =	sne.s32 s2, $0x0  }
0x62: {  	s3 =	rddreg [dreg:$0x2];
	[bflag:$0x3] =	sbarrier.arrive $0xFFFF;
	s2 =	simm.s32 @!p0 $0x1C02  }
0x63: {  	[timem:s3], [sflag:s2] =	dma.local @!p0 [hbm:s0], s1  }
0x64: {  	s0 =	simm.s32 @!p0 $0x2  }
0x65: {  	_ =	swait.ge @!p0 [sflag:s0], s1  }
0x66: {  	s1 =	ssub.s32 @!p0 $0x0, s1;
	[sflag:s0] =	ssyncset.done @!p0 $0x0  }
0x67: {  	[sflag:s0] =	ssyncadd.s32 @!p0 s1  }
0x68: {  	[bflag:$0x3] =	sbarrier.arrive $0xFFFF  }
0x69: {  	_ =	shalt  }

</sc_bundles>
